<compile_context>
chip_gen: v7x
topology: tpu7x:2x2x1
jax: 0.10.2.dev20260603
libtpu: 0.0.44.dev20260713+nightly
codegen_flags: <defaults>
</compile_context>

<pallas_src>
import functools
import math

import jax
import jax.numpy as jnp
from jax import lax
from jax.experimental import pallas as pl
from jax.experimental.pallas import tpu as pltpu
from jax.experimental.pallas import tpu_sc as plsc

D_MODEL = 1024
SCALE = math.sqrt(D_MODEL)
EPS = 1e-5
L = 16
NV = D_MODEL // L
NC, NS = 2, 16
NW = NC * NS
N_ROWS = 4 * 4096
ROWS_W = N_ROWS // NW
CH = 16
N_CH = ROWS_W // CH


_GDN = lax.GatherDimensionNumbers(
    offset_dims=(), collapsed_slice_dims=(0,), start_index_map=(0,))


def _lane_rotate(v, idx):
    return lax.gather(v, idx[:, None], _GDN, (1,),
                      mode=lax.GatherScatterMode.PROMISE_IN_BOUNDS)


def _allreduce_sum(v):
    idx = lax.iota(jnp.int32, L)
    for sh in (8, 4, 2, 1):
        v = v + _lane_rotate(v, (idx + sh) & (L - 1))
    return v


def _sc_body(pos_hbm, x_hbm, pe_hbm, w_hbm, b_hbm, out_hbm,
             idx_v, x_v, pe_v, w_v, b_v, sem_x, sem_g, sem_o):
    cid = lax.axis_index("c")
    sid = lax.axis_index("s")
    wid = sid * NC + cid
    pltpu.sync_copy(w_hbm, w_v)
    pltpu.sync_copy(b_hbm, b_v)
    pltpu.sync_copy(pos_hbm.at[wid], idx_v)

    def chunk(j, carry):
        base = wid * ROWS_W + j * CH
        cp_x = pltpu.async_copy(x_hbm.at[pl.ds(base, CH)], x_v, sem_x)
        cp_g = pltpu.async_copy(pe_hbm.at[idx_v.at[j]], pe_v, sem_g)
        cp_x.wait()
        cp_g.wait()

        def row(r, c2):
            def p1(k, acc):
                s, q = acc
                v = x_v[r, pl.ds(k * L, L)]
                return (s + v, q + v * v)

            zero = jnp.zeros((L,), jnp.float32)
            s, q = lax.fori_loop(0, NV, p1, (zero, zero))
            meanv = _allreduce_sum(s) * (1.0 / D_MODEL)
            vv = _allreduce_sum(q) * (1.0 / D_MODEL) - meanv * meanv + EPS
            u = jnp.full((L,), 1.0, jnp.float32)
            for _ in range(6):
                u = 0.5 * (u + vv / u)
            iv = 1.0 / u

            def p2(k, c3):
                sl = pl.ds(k * L, L)
                xv = x_v[r, sl]
                pv = pe_v[r, sl]
                x_v[r, sl] = (xv - meanv) * iv * w_v[sl] + b_v[sl] + SCALE * pv
                return c3

            return lax.fori_loop(0, NV, p2, c2)

        lax.fori_loop(0, CH, row, 0)
        pltpu.async_copy(x_v, out_hbm.at[pl.ds(base, CH)], sem_o).wait()
        return carry

    lax.fori_loop(0, N_CH, chunk, 0)


@functools.partial(
    pl.kernel,
    mesh=plsc.VectorSubcoreMesh(core_axis_name="c", subcore_axis_name="s"),
    out_type=jax.ShapeDtypeStruct((N_ROWS, D_MODEL), jnp.float32),
    scratch_types=[
        pltpu.VMEM((N_CH, CH), jnp.int32),
        pltpu.VMEM((CH, D_MODEL), jnp.float32),
        pltpu.VMEM((CH, D_MODEL), jnp.float32),
        pltpu.VMEM((D_MODEL,), jnp.float32),
        pltpu.VMEM((D_MODEL,), jnp.float32),
        pltpu.SemaphoreType.DMA,
        pltpu.SemaphoreType.DMA,
        pltpu.SemaphoreType.DMA,
    ],
)
def _sc_kernel(pos_hbm, x_hbm, pe_hbm, w_hbm, b_hbm, out_hbm,
               idx_v, x_v, pe_v, w_v, b_v, sem_x, sem_g, sem_o):
    _sc_body(pos_hbm, x_hbm, pe_hbm, w_hbm, b_hbm, out_hbm,
             idx_v, x_v, pe_v, w_v, b_v, sem_x, sem_g, sem_o)


def kernel(x, positions, pe, ln_w, ln_b):
    B, T, D = x.shape
    xf = x.reshape(B * T, D)
    pos = positions.reshape(-1).astype(jnp.int32).reshape(NW, N_CH, CH)
    out = _sc_kernel(pos, xf, pe, ln_w, ln_b)
    return out.reshape(B, T, D)

# --- scband reference (transcript-rebuilt; emitter-appended) ---
"""Pipeline reference for scband-learnable-positional-encoding-31473520345344 (READ-ONLY COPY).

The authoritative reference and input builder live on the scoring server;
editing this copy changes nothing except your own understanding.
"""

import jax, jax.numpy as jnp
import numpy as np
import math

D_MODEL = 1024
MAX_LEN = 8192
SCALE = math.sqrt(D_MODEL)
EPS = 1e-5

def setup_inputs(seed: int = 0) -> dict:
    key = jax.random.key(seed)
    k1, k2, k3 = jax.random.split(key, 3)
    x = jax.random.normal(k1, (4, 4096, D_MODEL), dtype=jnp.float32)
    positions = jax.random.randint(k2, (4, 4096), 0, MAX_LEN, dtype=jnp.int64 if jax.config.jax_enable_x64 else jnp.int32)
    pe = jax.random.normal(k3, (MAX_LEN, D_MODEL), dtype=jnp.float32) * math.sqrt(2.0 / D_MODEL)
    ln_w = jnp.ones((D_MODEL,), dtype=jnp.float32)
    ln_b = jnp.zeros((D_MODEL,), dtype=jnp.float32)
    return {"x": x, "positions": positions, "pe": pe, "ln_w": ln_w, "ln_b": ln_b}

def _layer_norm(x, w, b):
    mean = jnp.mean(x, axis=-1, keepdims=True)
    var = jnp.mean((x - mean) ** 2, axis=-1, keepdims=True)
    return (x - mean) * jax.lax.rsqrt(var + EPS) * w + b

def reference(x, positions, pe, ln_w, ln_b):
    # gather positional embeddings: F.embedding(positions, pe)
    pe_sel = jnp.take(pe, positions, axis=0)  # [B, T, D]
    # pre_add layer norm on x
    xn = _layer_norm(x, ln_w, ln_b)
    out = xn + pe_sel * SCALE
    return out

if __name__ == "__main__":
    import jax
    _d = setup_inputs()
    print(jax.jit(kernel)(*tuple(_d.values())))

</pallas_src>

<mosaic_0001>
#map = affine_map<(d0, d1) -> (0, 0, 0)>
#map1 = affine_map<(d0, d1) -> (0, 0)>
#map2 = affine_map<(d0, d1) -> (0)>
module attributes {stable_mosaic.version = 14 : i64} {
  func.func @_sc_kernel(%arg0: i32, %arg1: i32, %arg2: memref<32x32x16xi32, #tpu.memory_space<hbm>>, %arg3: memref<16384x1024xf32, #tpu.memory_space<hbm>>, %arg4: memref<8192x1024xf32, #tpu.memory_space<hbm>>, %arg5: memref<1024xf32, #tpu.memory_space<hbm>>, %arg6: memref<1024xf32, #tpu.memory_space<hbm>>, %arg7: memref<16384x1024xf32, #tpu.memory_space<hbm>>, %arg8: memref<32x16xi32, #tpu.memory_space<vmem>>, %arg9: memref<16x1024xf32, #tpu.memory_space<vmem>>, %arg10: memref<16x1024xf32, #tpu.memory_space<vmem>>, %arg11: memref<1024xf32, #tpu.memory_space<vmem>>, %arg12: memref<1024xf32, #tpu.memory_space<vmem>>, %arg13: memref<!tpu.dma_semaphore, #tpu.memory_space<semaphore_mem>>, %arg14: memref<!tpu.dma_semaphore, #tpu.memory_space<semaphore_mem>>, %arg15: memref<!tpu.dma_semaphore, #tpu.memory_space<semaphore_mem>>) attributes {dimension_semantics = [#tpu.dimension_semantics<core_parallel>, #tpu.dimension_semantics<subcore_parallel>], iteration_bounds = array<i64: 2, 16>, scalar_prefetch = 0 : i64, scratch_operands = 8 : i64, tpu.core_type = #tpu.core_type<sc_vector_subcore>, window_params = [{transform_indices = #map}, {transform_indices = #map1}, {transform_indices = #map1}, {transform_indices = #map2}, {transform_indices = #map2}, {transform_indices = #map1}]} {
    %mul3A = arith.constant 2 : i32
    %mul3A_0 = arith.muli %arg1, %mul3A : i32
    %add3A = arith.addi %mul3A_0, %arg0 : i32
    "tpu.region"() ({
      %run_scoped3A = tpu.sem_alloc : memref<!tpu.dma_semaphore, #tpu.memory_space<semaphore_mem>>
      tpu.enqueue_dma source(%arg5 : memref<1024xf32, #tpu.memory_space<hbm>>) target(%arg11 : memref<1024xf32, #tpu.memory_space<vmem>>) target_semaphore(%run_scoped3A : memref<!tpu.dma_semaphore, #tpu.memory_space<semaphore_mem>>)
      tpu.wait_dma2 semaphore(%run_scoped3A : memref<!tpu.dma_semaphore, #tpu.memory_space<semaphore_mem>>) src(%arg5 : memref<1024xf32, #tpu.memory_space<hbm>>) dst(%arg11 : memref<1024xf32, #tpu.memory_space<vmem>>)
      tpu.yield
    }) : () -> ()
    "tpu.region"() ({
      %run_scoped3A = tpu.sem_alloc : memref<!tpu.dma_semaphore, #tpu.memory_space<semaphore_mem>>
      tpu.enqueue_dma source(%arg6 : memref<1024xf32, #tpu.memory_space<hbm>>) target(%arg12 : memref<1024xf32, #tpu.memory_space<vmem>>) target_semaphore(%run_scoped3A : memref<!tpu.dma_semaphore, #tpu.memory_space<semaphore_mem>>)
      tpu.wait_dma2 semaphore(%run_scoped3A : memref<!tpu.dma_semaphore, #tpu.memory_space<semaphore_mem>>) src(%arg6 : memref<1024xf32, #tpu.memory_space<hbm>>) dst(%arg12 : memref<1024xf32, #tpu.memory_space<vmem>>)
      tpu.yield
    }) : () -> ()
    "tpu.region"() ({
      %run_scoped3A = tpu.sem_alloc : memref<!tpu.dma_semaphore, #tpu.memory_space<semaphore_mem>>
      %dma_start3A = arith.constant 0 : i32
      %dma_start3A_6 = arith.constant 0 : i32
      %dma_start3A_7 = tpu.memref_slice %arg2[%add3A, %dma_start3A, %dma_start3A_6] : memref<32x32x16xi32, #tpu.memory_space<hbm>> -> memref<1x32x16xi32, #tpu.memory_space<hbm>>
      %dma_start3A_8 = tpu.memref_squeeze %dma_start3A_7 : memref<1x32x16xi32, #tpu.memory_space<hbm>> -> memref<32x16xi32, #tpu.memory_space<hbm>>
      %dma_start3A_9 = arith.constant 0 : i32
      %dma_start3A_10 = arith.constant 0 : i32
      %dma_start3A_11 = tpu.memref_slice %arg2[%add3A, %dma_start3A_9, %dma_start3A_10] : memref<32x32x16xi32, #tpu.memory_space<hbm>> -> memref<1x32x16xi32, #tpu.memory_space<hbm>>
      %dma_start3A_12 = tpu.memref_squeeze %dma_start3A_11 : memref<1x32x16xi32, #tpu.memory_space<hbm>> -> memref<32x16xi32, #tpu.memory_space<hbm>>
      tpu.enqueue_dma source(%dma_start3A_12 : memref<32x16xi32, #tpu.memory_space<hbm>>) target(%arg8 : memref<32x16xi32, #tpu.memory_space<vmem>>) target_semaphore(%run_scoped3A : memref<!tpu.dma_semaphore, #tpu.memory_space<semaphore_mem>>)
      %dma_wait3A = arith.constant 0 : i32
      %dma_wait3A_13 = arith.constant 0 : i32
      %dma_wait3A_14 = tpu.memref_slice %arg2[%add3A, %dma_wait3A, %dma_wait3A_13] : memref<32x32x16xi32, #tpu.memory_space<hbm>> -> memref<1x32x16xi32, #tpu.memory_space<hbm>>
      %dma_wait3A_15 = tpu.memref_squeeze %dma_wait3A_14 : memref<1x32x16xi32, #tpu.memory_space<hbm>> -> memref<32x16xi32, #tpu.memory_space<hbm>>
      %dma_wait3A_16 = arith.constant 0 : i32
      %dma_wait3A_17 = arith.constant 0 : i32
      %dma_wait3A_18 = tpu.memref_slice %arg2[%add3A, %dma_wait3A_16, %dma_wait3A_17] : memref<32x32x16xi32, #tpu.memory_space<hbm>> -> memref<1x32x16xi32, #tpu.memory_space<hbm>>
      %dma_wait3A_19 = tpu.memref_squeeze %dma_wait3A_18 : memref<1x32x16xi32, #tpu.memory_space<hbm>> -> memref<32x16xi32, #tpu.memory_space<hbm>>
      tpu.wait_dma2 semaphore(%run_scoped3A : memref<!tpu.dma_semaphore, #tpu.memory_space<semaphore_mem>>) src(%dma_wait3A_19 : memref<32x16xi32, #tpu.memory_space<hbm>>) dst(%arg8 : memref<32x16xi32, #tpu.memory_space<vmem>>)
      tpu.yield
    }) : () -> ()
    %scan3A = arith.constant 0 : i32
    %scan3A_1 = arith.constant 0 : i32
    %scan3A_2 = arith.constant 32 : i32
    %scan3A_3 = arith.addi %scan3A_1, %scan3A_2 : i32
    %scan3A_4 = arith.constant 1 : i32
    scf.for %scan3A_6 = %scan3A_1 to %scan3A_3 step %scan3A_4  : i32 {
      %mul3A_7 = arith.constant 512 : i32
      %mul3A_8 = arith.muli %add3A, %mul3A_7 : i32
      %mul3A_9 = arith.constant 16 : i32
      %mul3A_10 = arith.muli %scan3A_6, %mul3A_9 : i32
      %add3A_11 = arith.addi %mul3A_8, %mul3A_10 : i32
      %dma_start3A = arith.constant 0 : i32
      %dma_start3A_12 = tpu.memref_slice %arg3[%add3A_11, %dma_start3A] : memref<16384x1024xf32, #tpu.memory_space<hbm>> -> memref<16x1024xf32, #tpu.memory_space<hbm>>
      %dma_start3A_13 = arith.constant 0 : i32
      %dma_start3A_14 = tpu.memref_slice %arg3[%add3A_11, %dma_start3A_13] : memref<16384x1024xf32, #tpu.memory_space<hbm>> -> memref<16x1024xf32, #tpu.memory_space<hbm>>
      tpu.enqueue_dma source(%dma_start3A_14 : memref<16x1024xf32, #tpu.memory_space<hbm>>) target(%arg9 : memref<16x1024xf32, #tpu.memory_space<vmem>>) target_semaphore(%arg13 : memref<!tpu.dma_semaphore, #tpu.memory_space<semaphore_mem>>)
      %dma_start3A_15 = arith.constant 0 : i32
      %dma_start3A_16 = tpu.memref_slice %arg8[%scan3A_6, %dma_start3A_15] : memref<32x16xi32, #tpu.memory_space<vmem>> -> memref<1x16xi32, #tpu.memory_space<vmem>>
      %dma_start3A_17 = tpu.memref_squeeze %dma_start3A_16 : memref<1x16xi32, #tpu.memory_space<vmem>> -> memref<16xi32, #tpu.memory_space<vmem>>
      %dma_start3A_18 = arith.constant 0 : i32
      %dma_start3A_19 = arith.constant 0 : i32
      %dma_start3A_20 = tpu.memref_slice %arg4[%dma_start3A_18, %dma_start3A_19] : memref<8192x1024xf32, #tpu.memory_space<hbm>> -> memref<8192x1024xf32, #tpu.memory_space<hbm>>
      tpu.enqueue_indirect_dma source(%dma_start3A_20 : memref<8192x1024xf32, #tpu.memory_space<hbm>>) target(%arg10 : memref<16x1024xf32, #tpu.memory_space<vmem>>) offsets(%dma_start3A_17 : memref<16xi32, #tpu.memory_space<vmem>>) semaphore(%arg14 : memref<!tpu.dma_semaphore, #tpu.memory_space<semaphore_mem>>)
      %dma_wait3A = arith.constant 0 : i32
      %dma_wait3A_21 = tpu.memref_slice %arg3[%add3A_11, %dma_wait3A] : memref<16384x1024xf32, #tpu.memory_space<hbm>> -> memref<16x1024xf32, #tpu.memory_space<hbm>>
      %dma_wait3A_22 = arith.constant 0 : i32
      %dma_wait3A_23 = tpu.memref_slice %arg3[%add3A_11, %dma_wait3A_22] : memref<16384x1024xf32, #tpu.memory_space<hbm>> -> memref<16x1024xf32, #tpu.memory_space<hbm>>
      tpu.wait_dma2 semaphore(%arg13 : memref<!tpu.dma_semaphore, #tpu.memory_space<semaphore_mem>>) src(%dma_wait3A_23 : memref<16x1024xf32, #tpu.memory_space<hbm>>) dst(%arg9 : memref<16x1024xf32, #tpu.memory_space<vmem>>)
      %dma_wait3A_24 = arith.constant 0 : i32
      %dma_wait3A_25 = tpu.memref_slice %arg8[%scan3A_6, %dma_wait3A_24] : memref<32x16xi32, #tpu.memory_space<vmem>> -> memref<1x16xi32, #tpu.memory_space<vmem>>
      %dma_wait3A_26 = tpu.memref_squeeze %dma_wait3A_25 : memref<1x16xi32, #tpu.memory_space<vmem>> -> memref<16xi32, #tpu.memory_space<vmem>>
      %dma_wait3A_27 = arith.constant 0 : i32
      %dma_wait3A_28 = arith.constant 0 : i32
      %dma_wait3A_29 = tpu.memref_slice %arg4[%dma_wait3A_27, %dma_wait3A_28] : memref<8192x1024xf32, #tpu.memory_space<hbm>> -> memref<8192x1024xf32, #tpu.memory_space<hbm>>
      tpu.wait_indirect_dma semaphore(%arg14 : memref<!tpu.dma_semaphore, #tpu.memory_space<semaphore_mem>>) src(%dma_wait3A_29 : memref<8192x1024xf32, #tpu.memory_space<hbm>>) dst(%arg10 : memref<16x1024xf32, #tpu.memory_space<vmem>>)
      %scan3A_30 = arith.constant 0 : i32
      %scan3A_31 = arith.constant 0 : i32
      %scan3A_32 = arith.constant 16 : i32
      %scan3A_33 = arith.addi %scan3A_31, %scan3A_32 : i32
      %scan3A_34 = arith.constant 1 : i32
      scf.for %scan3A_44 = %scan3A_31 to %scan3A_33 step %scan3A_34  : i32 {
        %broadcast_in_dim3A = arith.constant 0.000000e+00 : f32
        %broadcast_in_dim3A_45 = vector.broadcast %broadcast_in_dim3A : f32 to vector<16xf32>
        %scan3A_46 = arith.constant 0 : i32
        %scan3A_47 = arith.constant 64 : i32
        %scan3A_48 = arith.addi %scan3A_46, %scan3A_47 : i32
        %scan3A_49 = arith.constant 1 : i32
        %scan3A_50:2 = scf.for %scan3A_180 = %scan3A_46 to %scan3A_48 step %scan3A_49 iter_args(%scan3A_181 = %broadcast_in_dim3A_45, %scan3A_182 = %broadcast_in_dim3A_45) -> (vector<16xf32>, vector<16xf32>)  : i32 {
          %mul3A_183 = arith.constant 16 : i32
          %mul3A_184 = arith.muli %scan3A_180, %mul3A_183 : i32
          %get3A = arith.index_cast %scan3A_44 : i32 to index
          %get3A_185 = arith.index_cast %mul3A_184 : i32 to index
          %get3A_186 = tpu.vector_load %arg9[%get3A, %get3A_185] {strides = array<i32>} : memref<16x1024xf32, #tpu.memory_space<vmem>>, vector<1x16xf32>,
          %get3A_187 = vector.shape_cast %get3A_186 : vector<1x16xf32> to vector<16xf32>
          %add3A_188 = arith.addf %scan3A_181, %get3A_187 : vector<16xf32>
          %mul3A_189 = arith.mulf %get3A_187, %get3A_187 : vector<16xf32>
          %add3A_190 = arith.addf %scan3A_182, %mul3A_189 : vector<16xf32>
          scf.yield %add3A_188, %add3A_190 : vector<16xf32>, vector<16xf32>
        }
        %scan3A_51 = arith.constant 64 : i32
        %iota3A = tpu.iota {dimensions = array<i32: 0>} : vector<16xi32>
        %add3A_52 = arith.constant 8 : i32
        %add3A_53 = vector.broadcast %add3A_52 : i32 to vector<16xi32>
        %add3A_54 = arith.addi %iota3A, %add3A_53 : vector<16xi32>
        %and3A = arith.constant 15 : i32
        %and3A_55 = vector.broadcast %and3A : i32 to vector<16xi32>
        %and3A_56 = arith.andi %add3A_54, %and3A_55 : vector<16xi32>
        %broadcast_in_dim3A_57 = vector.shape_cast %and3A_56 : vector<16xi32> to vector<16x1xi32>
        %gather3A = vector.shape_cast %broadcast_in_dim3A_57 : vector<16x1xi32> to vector<16xi32>
        %gather3A_58 = tpu.dynamic_gather %scan3A_50#0[%gather3A] in [0] : vector<16xf32>, vector<16xi32> -> vector<16xf32>
        %add3A_59 = arith.addf %scan3A_50#0, %gather3A_58 : vector<16xf32>
        %add3A_60 = arith.constant 4 : i32
        %add3A_61 = vector.broadcast %add3A_60 : i32 to vector<16xi32>
        %add3A_62 = arith.addi %iota3A, %add3A_61 : vector<16xi32>
        %and3A_63 = arith.constant 15 : i32
        %and3A_64 = vector.broadcast %and3A_63 : i32 to vector<16xi32>
        %and3A_65 = arith.andi %add3A_62, %and3A_64 : vector<16xi32>
        %broadcast_in_dim3A_66 = vector.shape_cast %and3A_65 : vector<16xi32> to vector<16x1xi32>
        %gather3A_67 = vector.shape_cast %broadcast_in_dim3A_66 : vector<16x1xi32> to vector<16xi32>
        %gather3A_68 = tpu.dynamic_gather %add3A_59[%gather3A_67] in [0] : vector<16xf32>, vector<16xi32> -> vector<16xf32>
        %add3A_69 = arith.addf %add3A_59, %gather3A_68 : vector<16xf32>
        %add3A_70 = arith.constant 2 : i32
        %add3A_71 = vector.broadcast %add3A_70 : i32 to vector<16xi32>
        %add3A_72 = arith.addi %iota3A, %add3A_71 : vector<16xi32>
        %and3A_73 = arith.constant 15 : i32
        %and3A_74 = vector.broadcast %and3A_73 : i32 to vector<16xi32>
        %and3A_75 = arith.andi %add3A_72, %and3A_74 : vector<16xi32>
        %broadcast_in_dim3A_76 = vector.shape_cast %and3A_75 : vector<16xi32> to vector<16x1xi32>
        %gather3A_77 = vector.shape_cast %broadcast_in_dim3A_76 : vector<16x1xi32> to vector<16xi32>
        %gather3A_78 = tpu.dynamic_gather %add3A_69[%gather3A_77] in [0] : vector<16xf32>, vector<16xi32> -> vector<16xf32>
        %add3A_79 = arith.addf %add3A_69, %gather3A_78 : vector<16xf32>
        %add3A_80 = arith.constant 1 : i32
        %add3A_81 = vector.broadcast %add3A_80 : i32 to vector<16xi32>
        %add3A_82 = arith.addi %iota3A, %add3A_81 : vector<16xi32>
        %and3A_83 = arith.constant 15 : i32
        %and3A_84 = vector.broadcast %and3A_83 : i32 to vector<16xi32>
        %and3A_85 = arith.andi %add3A_82, %and3A_84 : vector<16xi32>
        %broadcast_in_dim3A_86 = vector.shape_cast %and3A_85 : vector<16xi32> to vector<16x1xi32>
        %gather3A_87 = vector.shape_cast %broadcast_in_dim3A_86 : vector<16x1xi32> to vector<16xi32>
        %gather3A_88 = tpu.dynamic_gather %add3A_79[%gather3A_87] in [0] : vector<16xf32>, vector<16xi32> -> vector<16xf32>
        %add3A_89 = arith.addf %add3A_79, %gather3A_88 : vector<16xf32>
        %mul3A_90 = arith.constant 9.765625E-4 : f32
        %mul3A_91 = vector.broadcast %mul3A_90 : f32 to vector<16xf32>
        %mul3A_92 = arith.mulf %add3A_89, %mul3A_91 : vector<16xf32>
        %iota3A_93 = tpu.iota {dimensions = array<i32: 0>} : vector<16xi32>
        %add3A_94 = arith.constant 8 : i32
        %add3A_95 = vector.broadcast %add3A_94 : i32 to vector<16xi32>
        %add3A_96 = arith.addi %iota3A_93, %add3A_95 : vector<16xi32>
        %and3A_97 = arith.constant 15 : i32
        %and3A_98 = vector.broadcast %and3A_97 : i32 to vector<16xi32>
        %and3A_99 = arith.andi %add3A_96, %and3A_98 : vector<16xi32>
        %broadcast_in_dim3A_100 = vector.shape_cast %and3A_99 : vector<16xi32> to vector<16x1xi32>
        %gather3A_101 = vector.shape_cast %broadcast_in_dim3A_100 : vector<16x1xi32> to vector<16xi32>
        %gather3A_102 = tpu.dynamic_gather %scan3A_50#1[%gather3A_101] in [0] : vector<16xf32>, vector<16xi32> -> vector<16xf32>
        %add3A_103 = arith.addf %scan3A_50#1, %gather3A_102 : vector<16xf32>
        %add3A_104 = arith.constant 4 : i32
        %add3A_105 = vector.broadcast %add3A_104 : i32 to vector<16xi32>
        %add3A_106 = arith.addi %iota3A_93, %add3A_105 : vector<16xi32>
        %and3A_107 = arith.constant 15 : i32
        %and3A_108 = vector.broadcast %and3A_107 : i32 to vector<16xi32>
        %and3A_109 = arith.andi %add3A_106, %and3A_108 : vector<16xi32>
        %broadcast_in_dim3A_110 = vector.shape_cast %and3A_109 : vector<16xi32> to vector<16x1xi32>
        %gather3A_111 = vector.shape_cast %broadcast_in_dim3A_110 : vector<16x1xi32> to vector<16xi32>
        %gather3A_112 = tpu.dynamic_gather %add3A_103[%gather3A_111] in [0] : vector<16xf32>, vector<16xi32> -> vector<16xf32>
        %add3A_113 = arith.addf %add3A_103, %gather3A_112 : vector<16xf32>
        %add3A_114 = arith.constant 2 : i32
        %add3A_115 = vector.broadcast %add3A_114 : i32 to vector<16xi32>
        %add3A_116 = arith.addi %iota3A_93, %add3A_115 : vector<16xi32>
        %and3A_117 = arith.constant 15 : i32
        %and3A_118 = vector.broadcast %and3A_117 : i32 to vector<16xi32>
        %and3A_119 = arith.andi %add3A_116, %and3A_118 : vector<16xi32>
        %broadcast_in_dim3A_120 = vector.shape_cast %and3A_119 : vector<16xi32> to vector<16x1xi32>
        %gather3A_121 = vector.shape_cast %broadcast_in_dim3A_120 : vector<16x1xi32> to vector<16xi32>
        %gather3A_122 = tpu.dynamic_gather %add3A_113[%gather3A_121] in [0] : vector<16xf32>, vector<16xi32> -> vector<16xf32>
        %add3A_123 = arith.addf %add3A_113, %gather3A_122 : vector<16xf32>
        %add3A_124 = arith.constant 1 : i32
        %add3A_125 = vector.broadcast %add3A_124 : i32 to vector<16xi32>
        %add3A_126 = arith.addi %iota3A_93, %add3A_125 : vector<16xi32>
        %and3A_127 = arith.constant 15 : i32
        %and3A_128 = vector.broadcast %and3A_127 : i32 to vector<16xi32>
        %and3A_129 = arith.andi %add3A_126, %and3A_128 : vector<16xi32>
        %broadcast_in_dim3A_130 = vector.shape_cast %and3A_129 : vector<16xi32> to vector<16x1xi32>
        %gather3A_131 = vector.shape_cast %broadcast_in_dim3A_130 : vector<16x1xi32> to vector<16xi32>
        %gather3A_132 = tpu.dynamic_gather %add3A_123[%gather3A_131] in [0] : vector<16xf32>, vector<16xi32> -> vector<16xf32>
        %add3A_133 = arith.addf %add3A_123, %gather3A_132 : vector<16xf32>
        %mul3A_134 = arith.constant 9.765625E-4 : f32
        %mul3A_135 = vector.broadcast %mul3A_134 : f32 to vector<16xf32>
        %mul3A_136 = arith.mulf %add3A_133, %mul3A_135 : vector<16xf32>
        %mul3A_137 = arith.mulf %mul3A_92, %mul3A_92 : vector<16xf32>
        %sub3A = arith.subf %mul3A_136, %mul3A_137 : vector<16xf32>
        %add3A_138 = arith.constant 9.99999974E-6 : f32
        %add3A_139 = vector.broadcast %add3A_138 : f32 to vector<16xf32>
        %add3A_140 = arith.addf %sub3A, %add3A_139 : vector<16xf32>
        %broadcast_in_dim3A_141 = arith.constant 1.000000e+00 : f32
        %broadcast_in_dim3A_142 = vector.broadcast %broadcast_in_dim3A_141 : f32 to vector<16xf32>
        %div3A = arith.divf %add3A_140, %broadcast_in_dim3A_142 : vector<16xf32>
        %add3A_143 = arith.addf %broadcast_in_dim3A_142, %div3A : vector<16xf32>
        %mul3A_144 = arith.constant 5.000000e-01 : f32
        %mul3A_145 = vector.broadcast %mul3A_144 : f32 to vector<16xf32>
        %mul3A_146 = arith.mulf %mul3A_145, %add3A_143 : vector<16xf32>
        %div3A_147 = arith.divf %add3A_140, %mul3A_146 : vector<16xf32>
        %add3A_148 = arith.addf %mul3A_146, %div3A_147 : vector<16xf32>
        %mul3A_149 = arith.constant 5.000000e-01 : f32
        %mul3A_150 = vector.broadcast %mul3A_149 : f32 to vector<16xf32>
        %mul3A_151 = arith.mulf %mul3A_150, %add3A_148 : vector<16xf32>
        %div3A_152 = arith.divf %add3A_140, %mul3A_151 : vector<16xf32>
        %add3A_153 = arith.addf %mul3A_151, %div3A_152 : vector<16xf32>
        %mul3A_154 = arith.constant 5.000000e-01 : f32
        %mul3A_155 = vector.broadcast %mul3A_154 : f32 to vector<16xf32>
        %mul3A_156 = arith.mulf %mul3A_155, %add3A_153 : vector<16xf32>
        %div3A_157 = arith.divf %add3A_140, %mul3A_156 : vector<16xf32>
        %add3A_158 = arith.addf %mul3A_156, %div3A_157 : vector<16xf32>
        %mul3A_159 = arith.constant 5.000000e-01 : f32
        %mul3A_160 = vector.broadcast %mul3A_159 : f32 to vector<16xf32>
        %mul3A_161 = arith.mulf %mul3A_160, %add3A_158 : vector<16xf32>
        %div3A_162 = arith.divf %add3A_140, %mul3A_161 : vector<16xf32>
        %add3A_163 = arith.addf %mul3A_161, %div3A_162 : vector<16xf32>
        %mul3A_164 = arith.constant 5.000000e-01 : f32
        %mul3A_165 = vector.broadcast %mul3A_164 : f32 to vector<16xf32>
        %mul3A_166 = arith.mulf %mul3A_165, %add3A_163 : vector<16xf32>
        %div3A_167 = arith.divf %add3A_140, %mul3A_166 : vector<16xf32>
        %add3A_168 = arith.addf %mul3A_166, %div3A_167 : vector<16xf32>
        %mul3A_169 = arith.constant 5.000000e-01 : f32
        %mul3A_170 = vector.broadcast %mul3A_169 : f32 to vector<16xf32>
        %mul3A_171 = arith.mulf %mul3A_170, %add3A_168 : vector<16xf32>
        %div3A_172 = arith.constant 1.000000e+00 : f32
        %div3A_173 = vector.broadcast %div3A_172 : f32 to vector<16xf32>
        %div3A_174 = arith.divf %div3A_173, %mul3A_171 : vector<16xf32>
        %scan3A_175 = arith.constant 0 : i32
        %scan3A_176 = arith.constant 64 : i32
        %scan3A_177 = arith.addi %scan3A_175, %scan3A_176 : i32
        %scan3A_178 = arith.constant 1 : i32
        scf.for %scan3A_180 = %scan3A_175 to %scan3A_177 step %scan3A_178  : i32 {
          %mul3A_181 = arith.constant 16 : i32
          %mul3A_182 = arith.muli %scan3A_180, %mul3A_181 : i32
          %get3A = arith.index_cast %scan3A_44 : i32 to index
          %get3A_183 = arith.index_cast %mul3A_182 : i32 to index
          %get3A_184 = tpu.vector_load %arg9[%get3A, %get3A_183] {strides = array<i32>} : memref<16x1024xf32, #tpu.memory_space<vmem>>, vector<1x16xf32>,
          %get3A_185 = vector.shape_cast %get3A_184 : vector<1x16xf32> to vector<16xf32>
          %get3A_186 = arith.index_cast %scan3A_44 : i32 to index
          %get3A_187 = arith.index_cast %mul3A_182 : i32 to index
          %get3A_188 = tpu.vector_load %arg10[%get3A_186, %get3A_187] {strides = array<i32>} : memref<16x1024xf32, #tpu.memory_space<vmem>>, vector<1x16xf32>,
          %get3A_189 = vector.shape_cast %get3A_188 : vector<1x16xf32> to vector<16xf32>
          %sub3A_190 = arith.subf %get3A_185, %mul3A_92 : vector<16xf32>
          %mul3A_191 = arith.mulf %sub3A_190, %div3A_174 : vector<16xf32>
          %get3A_192 = arith.index_cast %mul3A_182 : i32 to index
          %get3A_193 = tpu.vector_load %arg11[%get3A_192] {strides = array<i32>} : memref<1024xf32, #tpu.memory_space<vmem>>, vector<16xf32>,
          %get3A_194 = vector.shape_cast %get3A_193 : vector<16xf32> to vector<16xf32>
          %mul3A_195 = arith.mulf %mul3A_191, %get3A_194 : vector<16xf32>
          %get3A_196 = arith.index_cast %mul3A_182 : i32 to index
          %get3A_197 = tpu.vector_load %arg12[%get3A_196] {strides = array<i32>} : memref<1024xf32, #tpu.memory_space<vmem>>, vector<16xf32>,
          %get3A_198 = vector.shape_cast %get3A_197 : vector<16xf32> to vector<16xf32>
          %add3A_199 = arith.addf %mul3A_195, %get3A_198 : vector<16xf32>
          %mul3A_200 = arith.constant 3.200000e+01 : f32
          %mul3A_201 = vector.broadcast %mul3A_200 : f32 to vector<16xf32>
          %mul3A_202 = arith.mulf %mul3A_201, %get3A_189 : vector<16xf32>
          %add3A_203 = arith.addf %add3A_199, %mul3A_202 : vector<16xf32>
          %swap3A = arith.index_cast %scan3A_44 : i32 to index
          %swap3A_204 = arith.index_cast %mul3A_182 : i32 to index
          %swap3A_205 = tpu.vector_load %arg9[%swap3A, %swap3A_204] {strides = array<i32>} : memref<16x1024xf32, #tpu.memory_space<vmem>>, vector<1x16xf32>,
          %swap3A_206 = vector.shape_cast %swap3A_205 : vector<1x16xf32> to vector<16xf32>
          %swap3A_207 = vector.shape_cast %add3A_203 : vector<16xf32> to vector<1x16xf32>
          tpu.vector_store %arg9[%swap3A, %swap3A_204], %swap3A_207 {strides = array<i32>} : memref<16x1024xf32, #tpu.memory_space<vmem>>, vector<1x16xf32>,
        }
        %scan3A_179 = arith.constant 64 : i32
      }
      %scan3A_35 = arith.constant 16 : i32
      %dma_start3A_36 = arith.constant 0 : i32
      %dma_start3A_37 = tpu.memref_slice %arg7[%add3A_11, %dma_start3A_36] : memref<16384x1024xf32, #tpu.memory_space<hbm>> -> memref<16x1024xf32, #tpu.memory_space<hbm>>
      %dma_start3A_38 = arith.constant 0 : i32
      %dma_start3A_39 = tpu.memref_slice %arg7[%add3A_11, %dma_start3A_38] : memref<16384x1024xf32, #tpu.memory_space<hbm>> -> memref<16x1024xf32, #tpu.memory_space<hbm>>
      tpu.enqueue_dma source(%arg9 : memref<16x1024xf32, #tpu.memory_space<vmem>>) target(%dma_start3A_39 : memref<16x1024xf32, #tpu.memory_space<hbm>>) target_semaphore(%arg15 : memref<!tpu.dma_semaphore, #tpu.memory_space<semaphore_mem>>)
      %dma_wait3A_40 = arith.constant 0 : i32
      %dma_wait3A_41 = tpu.memref_slice %arg7[%add3A_11, %dma_wait3A_40] : memref<16384x1024xf32, #tpu.memory_space<hbm>> -> memref<16x1024xf32, #tpu.memory_space<hbm>>
      %dma_wait3A_42 = arith.constant 0 : i32
      %dma_wait3A_43 = tpu.memref_slice %arg7[%add3A_11, %dma_wait3A_42] : memref<16384x1024xf32, #tpu.memory_space<hbm>> -> memref<16x1024xf32, #tpu.memory_space<hbm>>
      tpu.wait_dma2 semaphore(%arg15 : memref<!tpu.dma_semaphore, #tpu.memory_space<semaphore_mem>>) src(%arg9 : memref<16x1024xf32, #tpu.memory_space<vmem>>) dst(%dma_wait3A_43 : memref<16x1024xf32, #tpu.memory_space<hbm>>)
    }
    %scan3A_5 = arith.constant 32 : i32
    return
  }
}

</mosaic_0001>

<sc_bundles>
// kernel: kernel.3.cloned.1.call-start
scs
__scs_entry_jumppad:
0x0: {  	(pc) =	sbr.rel $0x88, $3  }
0x1: {  	(tag) =	ssettag $0x0;
	lr =	simm.s32 $0x1  }
0x2: {  	[smem:$0x3F9C] =	sst lr;
	_ =	strace $0xD0000000  }
0x3: {  	_ = 	snop  }
0x4: {  	_ = 	snop  }
0x5: {  	_ = 	snop  }
0x6: {  	_ = 	snop  }
0x7: {  	_ = 	snop  }
__scs_overlays_trampoline_lowered:
0x8: {  	[smem:$0x3FAB] =	sst s0  }
0x9: {  	[smem:$0x3FAC] =	sst s1  }
0xa: {  	[smem:$0x3FAD] =	sst s2  }
0xb: {  	[smem:$0x3FAE] =	sst s3  }
0xc: {  	[smem:$0x3FAF] =	sst s4  }
0xd: {  	[smem:$0x3FB0] =	sst s5  }
0xe: {  	[smem:$0x3FB1] =	sst s6  }
0xf: {  	[smem:$0x3FB2] =	sst s7  }
0x10: {  	[smem:$0x3FB3] =	sst s8  }
0x11: {  	[smem:$0x3FB4] =	sst s9;
	s0 =	simm.s32 @!p0 $0x0  }
0x12: {  	s1 =	sld [smem:$0x3F9A];
	s0 =	simm.s32 @p0 $0x1  }
0x13: {  	[smem:$0x3FB5] =	sst s0;
	s0 =	simm.s32 @!p1 $0x0  }
0x14: {  	s2 =	sld [smem:$0x3F99];
	s0 =	simm.s32 @p1 $0x1  }
0x15: {  	[smem:$0x3FB6] =	sst s0;
	s0 =	simm.s32 @!p2 $0x0  }
0x16: {  	s3 =	sld [smem:$0x3FDB];
	s0 =	simm.s32 @p2 $0x1  }
0x17: {  	s4 =	simm.s32 $0x1BF5;
	[smem:$0x3FB8] =	sst s0  }
0x18: {  	s0 =	sld [smem:$0x3F9B];
	_ =	swait.ge [sflag:s4], $0x0  }
0x19: {  	s7 =	sld [smem:$0x3F9C]  }
0x1a: {  	s8 =	sadd.s32 $0xFFFFE003, lr  }
0x1b: {  	s9 =	sadd.s32 $0xFFFFFEF7, lr;
	s5 =	simm.s32 $0xFFFFFFFF;
	p2 =	slt.u32 s8, $0xFFFFF086  }
0x1c: {  	p1 =	slt.u32 s9, $0xF7A;
	s5 =	simm.s32 @!p2 $0x0  }
0x1d: {  	s5 =	simm.s32 @p1 $0x1;
	p0 =	seq.s32 s7, s2  }
0x1e: {  	s7 =	smul.u32 @!p0 $0xF7A, s2;
	p2 =	seq.s32 @!p0 s5, $0x0  }
0x1f: {  	s9 =	smul.u32 $0xF7A, s1;
	s8 =	simm.s32 @!p0 $0x1BF5;
	p2 =	por !p2, p0  }
0x20: {  	[sflag:s8] =	ssyncset.s32 @!p0 $0xFFFFF086;
	s6 =	sadd.s32 @!p0 s3, s7;
	s7 =	simm.s32 @!p0 $0x108  }
0x21: {  	s3 =	sadd.s32 s3, s9;
	s6 =	sadd.s32 @!p0 $0x88, s6;
	s7 =	simm.s32 @p2 $0x1082  }
0x22: {  	[simem:s7], [sflag:s8] =	dma.local @!p0 [hbm:s6], $0xF7A  }
0x23: {  	s9 =	sor.u32 $0xD0000000, s2;
	s6 =	simm.s32 $0x108;
	_ =	swait.ge @!p0 [sflag:s8], $0x0  }
0x24: {  	s3 =	sadd.s32 $0x88, s3;
	s6 =	simm.s32 @!p1 $0x1082;
	[sflag:s4] =	ssyncset.s32 $0xFFFFF086  }
0x25: {  	[simem:s6], [sflag:s4] =	dma.local [hbm:s3], $0xF7A  }
0x26: {  	[smem:$0x3F9C] =	sst s1;
	(tag) =	ssettag s2;
	_ =	strace s9  }
0x27: {  	s1 =	sld [smem:$0x3FAC]  }
0x28: {  	s2 =	sld [smem:$0x3FAD]  }
0x29: {  	s4 =	sld [smem:$0x3FAF]  }
0x2a: {  	p0 =	seq.s32 s5, $0x0;
	s5 =	sld [smem:$0x3FB0]  }
0x2b: {  	s6 =	sld [smem:$0x3FB1]  }
0x2c: {  	s7 =	sld [smem:$0x3FB2]  }
0x2d: {  	s3 =	simm.s32 $0x108;
	s8 =	sld [smem:$0x3FB3]  }
0x2e: {  	s3 =	simm.s32 @!p0 $0x1082;
	s9 =	sld [smem:$0x3FB4]  }
0x2f: {  	lr =	sadd.s32 s0, s3;
	s0 =	sld [smem:$0x3FAB]  }
0x30: {  	s3 =	sld [smem:$0x3FAE]  }
0x31: {  	[smem:$0x3FB7] =	sst s10  }
0x32: {  	s10 =	sld [smem:$0x3FB5];
	_ =	sdelay $0x3  }
0x33: {  	p0 =	seq.s32 s10, $0x1;
	s10 =	sld [smem:$0x3FB7];
	_ =	sdelay $0x3  }
0x34: {  	[smem:$0x3FB7] =	sst s10  }
0x35: {  	s10 =	sld [smem:$0x3FB6];
	_ =	sdelay $0x3  }
0x36: {  	p1 =	seq.s32 s10, $0x1;
	s10 =	sld [smem:$0x3FB7];
	_ =	sdelay $0x3  }
0x37: {  	[smem:$0x3FB7] =	sst s10  }
0x38: {  	s10 =	sld [smem:$0x3FB8]  }
0x39: {  	_ = 	snop;
	(pc) =	sbr.ind lr, $3  }
0x3a: {  	_ = 	snop  }
0x3b: {  	_ = 	snop  }
0x3c: {  	p2 =	seq.s32 s10, $0x1;
	s10 =	sld [smem:$0x3FB7]  }
0x3d: {  	_ =	shalt  }
0x3e: {  	_ =	shalt  }
0x3f: {  	_ =	shalt  }
0x40: {  	_ =	shalt  }
0x41: {  	_ =	shalt  }
0x42: {  	_ =	shalt  }
0x43: {  	_ =	shalt  }
0x44: {  	_ =	shalt  }
0x45: {  	_ =	shalt  }
0x46: {  	_ =	shalt  }
0x47: {  	_ =	shalt  }
0x48: {  	_ =	shalt  }
0x49: {  	_ =	shalt  }
0x4a: {  	_ =	shalt  }
0x4b: {  	_ =	shalt  }
0x4c: {  	_ =	shalt  }
0x4d: {  	_ =	shalt  }
0x4e: {  	_ =	shalt  }
0x4f: {  	_ =	shalt  }
0x50: {  	_ =	shalt  }
0x51: {  	_ =	shalt  }
0x52: {  	_ =	shalt  }
0x53: {  	_ =	shalt  }
0x54: {  	_ =	shalt  }
0x55: {  	_ =	shalt  }
0x56: {  	_ =	shalt  }
0x57: {  	_ =	shalt  }
0x58: {  	_ =	shalt  }
0x59: {  	_ =	shalt  }
0x5a: {  	_ =	shalt  }
0x5b: {  	_ =	shalt  }
0x5c: {  	_ =	shalt  }
0x5d: {  	_ =	shalt  }
0x5e: {  	_ =	shalt  }
0x5f: {  	_ =	shalt  }
0x60: {  	_ =	shalt  }
0x61: {  	_ =	shalt  }
0x62: {  	_ =	shalt  }
0x63: {  	_ =	shalt  }
0x64: {  	_ =	shalt  }
0x65: {  	_ =	shalt  }
0x66: {  	_ =	shalt  }
0x67: {  	_ =	shalt  }
0x68: {  	_ =	shalt  }
0x69: {  	_ =	shalt  }
0x6a: {  	_ =	shalt  }
0x6b: {  	_ =	shalt  }
0x6c: {  	_ =	shalt  }
0x6d: {  	_ =	shalt  }
0x6e: {  	_ =	shalt  }
0x6f: {  	_ =	shalt  }
0x70: {  	_ =	shalt  }
0x71: {  	_ =	shalt  }
0x72: {  	_ =	shalt  }
0x73: {  	_ =	shalt  }
0x74: {  	_ =	shalt  }
0x75: {  	_ =	shalt  }
0x76: {  	_ =	shalt  }
0x77: {  	_ =	shalt  }
0x78: {  	_ =	shalt  }
0x79: {  	_ =	shalt  }
0x7a: {  	_ =	shalt  }
0x7b: {  	_ =	shalt  }
0x7c: {  	_ =	shalt  }
0x7d: {  	_ =	shalt  }
0x7e: {  	_ =	shalt  }
0x7f: {  	_ =	shalt  }
0x80: {  	_ =	shalt  }
0x81: {  	_ =	shalt  }
0x82: {  	_ =	shalt  }
0x83: {  	_ =	shalt  }
0x84: {  	_ =	shalt  }
0x85: {  	_ =	shalt  }
0x86: {  	_ =	shalt  }
0x87: {  	_ =	shalt  }
.Lfunc_end0:
.L_simem_size_0:
called_computation_lowered:
.L_overlay_start_0:
0x88: {  	s2 =	sld [smem:$0x3FD9]  }
0x89: {  	s3 =	sld [smem:$0x3FFE];
	_ =	sdelay $0x1  }
0x8a: {  	s1 =	srdreg.scid  }
0x8b: {  	s0 =	sand.u32 $0x1, s1  }
0x8c: {  	s17 =	sshll.u32 s0, $0xA;
	s2 =	sadd.s32 s3, s2  }
0x8d: {  	s2 =	sadd.s32 s2, s17  }
0x8e: {  	[smem:$0x3FC3] =	sst s2  }
0x8f: {  	_ = 	snop  }
0x90: {  	s2 =	sld [smem:$0x3FC9]  }
0x91: {  	s18 =	sld [smem:$0x3FC7]  }
0x92: {  	s4 =	sld [smem:$0x3FC6]  }
0x93: {  	s5 =	sld [smem:$0x3FC5]  }
0x94: {  	s6 =	sld [smem:$0x3FD0];
	(tm) =	ssettm $0x1  }
0x95: {  	s7 =	sld [smem:$0x3FFB];
	_ =	sdelay $0x3  }
0x96: {  	_ =	strace s7  }
0x97: {  	s7 =	sld [smem:$0x3FFC];
	_ =	sdelay $0x3  }
0x98: {  	_ =	strace s7  }
0x99: {  	s7 =	sld [smem:$0x3FFD];
	_ =	sdelay $0x3  }
0x9a: {  	_ =	strace s7  }
0x9b: {  	_ =	strace $0x8FFFFFFF  }
0x9c: {  	s19 =	sld [smem:$0x3FDB];
	_ =	sdelay $0x1  }
0x9d: {  	s8 =	simm.s32 $_scs_section_size  }
0x9e: {  	s9 =	simm.s32 $_size__tile_overlayer_lowered;
	s10 =	simm.s32 $_tile_overlayer_lowered  }
0x9f: {  	s22 =	simm.s32 $0x1BFF;
	s21 =	sshll.u32 s10, $0x1;
	s7 =	sadd.s32 s8, s19  }
0xa0: {  	s11 =	simm.s32 $0x0;
	s20 =	sshll.u32 s9, $0x1;
	s9 =	sadd.s32 s21, s7  }
0xa1: {  	[timem:s11], [sflag:s22] =	dma.local [hbm:s9], s20  }
0xa2: {  	_ =	swait.ge [sflag:s22], s20  }
0xa3: {  	s8 =	ssub.s32 $0x0, s20;
	[sflag:s22] =	ssyncset.done $0x0  }
0xa4: {  	[sflag:s22] =	ssyncadd.s32 s8;
	_ =	sdelay $0x1  }
0xa5: {  	s23 =	simm.s32 $0x1B8B  }
0xa6: {  	_ =	swait.ge [sflag:s23], $0x1  }
0xa7: {  	[sflag:s23] =	ssyncset.done $0x0  }
0xa8: {  	s25 =	simm.s32 $0x1B8E;
	s24 =	sld [smem:$0x3FFE];
	[sflag:s23] =	ssyncadd.s32 $0xFFFFFFFF  }
0xa9: {  	s26 =	simm.s32 $execute0_lowered;
	[smem:$0x3FD2] =	sst s25  }
0xaa: {  	s9 =	sshll.u32 s26, $0x1;
	_ =	strace $0x80000046;
	[dreg:$0x1] =	wrdreg $0xFFFFFFFF  }
0xab: {  	s28 =	simm.s32 $_size_execute0_lowered;
	s7 =	sadd.s32 s7, s9;
	[dreg:$0x0] =	wrdreg $0x0  }
0xac: {  	s9 =	sshll.u32 s28, $0x1;
	[dreg:$0x2] =	wrdreg s7  }
0xad: {  	[dreg:$0x3] =	wrdreg s9  }
0xae: {  	[dreg:$0x4] =	wrdreg $0xC0  }
0xaf: {  	_ =	task [dreg:s11], $0x5FFFF  }
0xb0: {  	[dreg:$0x1] =	wrdreg $0xFFFFFFFF  }
0xb1: {  	[dreg:$0x0] =	wrdreg $0x60  }
0xb2: {  	[dreg:$0x2] =	wrdreg s24  }
0xb3: {  	[dreg:$0x3] =	wrdreg s2  }
0xb4: {  	[dreg:$0x4] =	wrdreg s18  }
0xb5: {  	[dreg:$0x5] =	wrdreg s4  }
0xb6: {  	[dreg:$0x6] =	wrdreg s5  }
0xb7: {  	[dreg:$0x7] =	wrdreg s6  }
0xb8: {  	[dreg:$0x8] =	wrdreg $0x9  }
0xb9: {  	_ =	task.clear_ibuf [dreg:s11], $0x9FFFF;
	_ =	strace $0x90000046  }
0xba: {  	s29 =	simm.s32 $0x9;
	_ =	strace $0x80000048  }
0xbb: {  	_ =	swait.ge [sflag:s29], $0x1  }
0xbc: {  	[sflag:s29] =	ssyncadd.s32 $0xFFFFFFFF  }
0xbd: {  	_ =	strace $0x90000048  }
0xbe: {  	_ =	sfence  }
0xbf: {  	s30 =	sld [smem:$0x0];
	_ =	sdelay $0x2  }
0xc0: {  	s31 =	sshll.u32 s1, $0xD;
	s1 =	sshrl.u32 s1, $0x2  }
0xc1: {  	s3 =	sand.u32 $0x4000, s31;
	s1 =	sadd.s32 s1, s30  }
0xc2: {  	s0 =	sor.u32 s3, s0;
	s1 =	sshll.u32 s1, $0x11  }
0xc3: {  	s0 =	sor.u32 s1, s0  }
0xc4: {  	s0 =	sadd.s32 $0x8F2B, s0  }
0xc5: {  	[sflag:s0] =	ssyncadd.remote.s32 $0x1  }
0xc6: {  	_ =	sfence.sel $0xFFFF  }
0xc7: {  	[dreg:$0x0] =	wrdreg $0xFFFFFFFF;
	(pc) =	sbr.abs _section_cstart, $3  }
0xc8: {  	[dreg:$0x1] =	wrdreg $0xFFFFFFFF  }
0xc9: {  	_ =	task.clear_ibuf [dreg:s11], $0x2FFFF;
	_ =	strace $0x9FFFFFFF  }
0xca: {  	(tm) =	ssettm $0x7FFFFFFF  }
0xcb: {  	_ =	shalt  }
tec
execute0_lowered:
.L_overlay_start_1:
0x0: {  	(tag) =	ssettag $0x1  }
0x1: {  	s0 =	rddreg [dreg:$0x0];
	v0 =	vimm.s32 $0x3210FEDC;
	v1 =	vimm.s32 $0x76543210;
	v2 =	vimm.s32 $0xFEDCBA98  }
0x2: {  	s1 =	rddreg [dreg:$0x2];
	s2 =	srdreg.scid;
	v3 =	vimm.s32 $0xBA987654;
	v4 =	vimm.s32 $0x10FEDCBA;
	v5 =	vimm.s32 $0x98765432  }
0x3: {  	s3 =	stileid.u32;
	s7 =	simm.s32 $0x0;
	v6 =	vimm.s32 $0xFEDCBA9;
	v7 =	vimm.s32 $0x87654321;
	s17 =	simm.s32 $0x1000  }
0x4: {  	s18 =	simm.s32 $0x5000;
	s19 =	simm.s32 $0x5800;
	s20 =	simm.s32 $0x6000;
	vm0 =	vmmov $0xffff;
	v0 =	vunpack.c.l.s4.s8 v0;
	v3 =	vunpack.c.l.s4.s8 v3  }
0x5: {  	s21 =	simm.s32 $0x6800;
	s22 =	simm.s32 $0x7000;
	s23 =	simm.s32 $0x7800;
	v1 =	vunpack.c.l.s4.s8 v1;
	v4 =	vunpack.c.l.s4.s8 v4;
	v5 =	vunpack.c.l.s4.s8 v5  }
0x6: {  	s24 =	simm.s32 $0x8000;
	s25 =	simm.s32 $0x8800;
	s26 =	simm.s32 $0x1;
	v2 =	vunpack.c.l.s4.s8 v2;
	v0 =	vunpack.c.0.s8.s32 v0;
	v3 =	vunpack.c.0.s8.s32 v3  }
0x7: {  	s28 =	simm.s32 $0x2;
	s2 =	sand.u32 $0x1, s2;
	s3 =	sshll.u32 s3, $0x1;
	v6 =	vunpack.c.l.s4.s8 v6;
	v7 =	vunpack.c.l.s4.s8 v7;
	v4 =	vunpack.c.0.s8.s32 v4  }
0x8: {  	s29 =	simm.s32 $0x3;
	[smem:$0x7FF] =	sst s7;
	s3 =	sor.u32 s2, s3;
	v5 =	vunpack.c.0.s8.s32 v5;
	v2 =	vunpack.c.0.s8.s32 v2;
	v8 =	vcombine.low v3, v0  }
0x9: {  	s10 =	sadd.s32 $0x100, s1;
	s2 =	ssub.s32 $0x2, s2;
	s4 =	sshll.u32 s3, $0x9;
	v0 =	vunpack.c.0.s8.s32 v6;
	v3 =	vunpack.c.0.s8.s32 v7;
	v6 =	vlaneseq.u32  }
0xa: {  	s11 =	sadd.s32 $0x200, s1;
	s30 =	sshrl.u32 s2, $0x1;
	s0 =	sadd.s32 s4, s0;
	v5 =	vcombine.low v5, v4;
	v7 =	vunpack.c.0.s8.s32 v1;
	v4 =	vshrl.u32 v6, $0x3  }
0xb: {  	s12 =	sadd.s32 $0x300, s1;
	s2 =	ssub.s32 s2, s30;
	s0 =	sadd.s32 $0x400, s0;
	v9 =	vcombine.low v3, v0;
	v0 =	vand.u32 $0x7, v6;
	v1 =	vmul.u32 $0x8, v4  }
0xc: {  	_ =	strace $0x80000047;
	s31 =	smax.u32 s2, $0x1;
	[dreg:$0x7] =	wrdreg s0;
	v3 =	vand.u32 $0xF, v2;
	v2 =	vor.u32 $0x8, v6;
	v4 =	vand.u32 $0xF, v8  }
0xd: {  	s9 =	sshll.u32 s3, $0x10;
	s2 =	simm.s32 $0x0;
	[dreg:$0x8] =	wrdreg s31;
	v5 =	vand.u32 $0xF, v5;
	v3 =	vcombine.low v3, v7;
	v6 =	vand.u32 $0xF, v9  }
.LBB2_1:
0xe: {  	[dreg:$0x9] =	wrdreg s2  }
0xf: {  	s0 =	rddreg [dreg:$0x3];
	s14 =	simm.s32 $0x9000;
	s15 =	simm.s32 $0x4  }
0x10: {  	[tilespmem:s14], [sflag:$0x4] =	stream.linear.gather [hbm4b:s0+s7], $0x400, $0x38;
	[tilespmem:$0x9800] =	vst v63  }
0x11: {  	_ =	swait.ge [sflag:s15], $0x400  }
0x12: {  	[sflag:s15] =	ssyncset.done $0x0  }
0x13: {  	[sflag:s15] =	ssyncadd.s32 $0xFFFFFC00  }
0x14: {  	s3 =	simm.s32 $0x9400;
	s16 =	rddreg [dreg:$0x4]  }
0x15: {  	[tilespmem:s3], [sflag:$0x4] =	stream.linear.gather [hbm4b:s16+s7], $0x400, $0x38;
	[tilespmem:$0x9800] =	vst v63  }
0x16: {  	_ =	swait.ge [sflag:s15], $0x400  }
0x17: {  	[sflag:s15] =	ssyncset.done $0x0  }
0x18: {  	s30 =	rddreg [dreg:$0x7];
	[sflag:s15] =	ssyncadd.s32 $0xFFFFFC00  }
0x19: {  	[tilespmem:s7], [sflag:$0x4] =	stream.linear.gather [hbm4b:s30+s7], $0x1000, $0x38;
	[tilespmem:$0x9800] =	vst v63  }
0x1a: {  	_ =	swait.ge [sflag:s15], $0x1000  }
0x1b: {  	[sflag:s15] =	ssyncset.done $0x0  }
0x1c: {  	s31 =	simm.s32 $0x0;
	[sflag:s15] =	ssyncadd.s32 $0xFFFFF000  }
.LBB2_2:
0x1d: {  	s0 =	sshll.u32 s31, $0xB  }
0x1e: {  	s16 =	rddreg [dreg:$0x1];
	s5 =	sadd.s32 s9, s0  }
0x1f: {  	s2 =	simm.s32 $0x0;
	s30 =	sshll.u32 s31, $0x7;
	s0 =	sadd.s32 s16, s5  }
0x20: {  	[tilespmem:s17], [sflag:$0x1] =	stream.linear.gather [hbm4b:s0+s2], $0x4000, $0x38;
	[tilespmem:$0x9800] =	vst v63  }
0x21: {  	s0 =	sand.u32 $0x3FFFFF80, s30  }
0x22: {  	v7 =	vld [tilespmem:s0+$0x0];
	_ =	sdelay $0x4  }
0x23: {  	v8 =	vshll.u32 v7, $0x3  }
0x24: {  	v7 =	vand.u32 $0x7, v7;
	v8 =	vand.u32 $0xFFFFFFC0, v8  }
0x25: {  	v7 =	vor.u32 v7, v8  }
0x26: {  	v8 =	vperm.xlane v7, v0;
	_ =	sdelay $0x1  }
0x27: {  	v8 =	vadd.s32 v1, v8;
	_ =	sdelay $0x4  }
0x28: {  	[tilespmem:s18], [sflag:$0x2] =	stream.indirect_vreg.gather [hbm4b:s1+s2], $0x80, v8, vm0, $0xb8;
	[tilespmem:$0x9800] =	vst v63  }
0x29: {  	v7 =	vperm.xlane v7, v2  }
0x2a: {  	[tilespmem:s19], [sflag:$0x2] =	stream.indirect_vreg.gather [hbm4b:s10+s2], $0x80, v8, vm0, $0xb8;
	[tilespmem:$0x9800] =	vst v63  }
0x2b: {  	v7 =	vadd.s32 v1, v7  }
0x2c: {  	[tilespmem:s20], [sflag:$0x2] =	stream.indirect_vreg.gather [hbm4b:s11+s2], $0x80, v8, vm0, $0xb8;
	[tilespmem:$0x9800] =	vst v63  }
0x2d: {  	_ = 	snop  }
0x2e: {  	[tilespmem:s21], [sflag:$0x2] =	stream.indirect_vreg.gather [hbm4b:s12+s2], $0x80, v8, vm0, $0xb8;
	[tilespmem:$0x9800] =	vst v63  }
0x2f: {  	_ = 	snop  }
0x30: {  	[tilespmem:s22], [sflag:$0x2] =	stream.indirect_vreg.gather [hbm4b:s1+s2], $0x80, v7, vm0, $0xb8;
	[tilespmem:$0x9800] =	vst v63  }
0x31: {  	_ = 	snop  }
0x32: {  	[tilespmem:s23], [sflag:$0x2] =	stream.indirect_vreg.gather [hbm4b:s10+s2], $0x80, v7, vm0, $0xb8;
	[tilespmem:$0x9800] =	vst v63  }
0x33: {  	_ = 	snop  }
0x34: {  	[tilespmem:s24], [sflag:$0x2] =	stream.indirect_vreg.gather [hbm4b:s11+s2], $0x80, v7, vm0, $0xb8;
	[tilespmem:$0x9800] =	vst v63  }
0x35: {  	_ = 	snop  }
0x36: {  	[tilespmem:s25], [sflag:$0x2] =	stream.indirect_vreg.gather [hbm4b:s12+s2], $0x80, v7, vm0, $0xb8;
	[tilespmem:$0x9800] =	vst v63  }
0x37: {  	_ =	swait.ge [sflag:s26], $0x4000  }
0x38: {  	[sflag:s26] =	ssyncset.done $0x0  }
0x39: {  	[sflag:s26] =	ssyncadd.s32 $0xFFFFC000  }
0x3a: {  	_ =	swait.ge [sflag:s28], $0x4000  }
0x3b: {  	[sflag:s28] =	ssyncset.done $0x0  }
0x3c: {  	s3 =	simm.s32 $0x0;
	[sflag:s28] =	ssyncadd.s32 $0xFFFFC000  }
.LBB2_3:
0x3d: {  	s0 =	sshll.u32 s3, $0xA;
	s4 =	sshll.u32 s3, $0x7  }
0x3e: {  	s0 =	sand.u32 $0x2000, s0;
	s4 =	sand.u32 $0x380, s4  }
0x3f: {  	s0 =	sor.u32 s4, s0  }
0x40: {  	s30 =	sand.u32 $0x1C00, s2;
	s8 =	sor.u32 $0x1000, s0  }
0x41: {  	s13 =	sand.u32 $0x70, s2;
	s0 =	sadd.s32 s30, s8  }
0x42: {  	s0 =	sadd.s32 s13, s0  }
0x43: {  	v9 =	vld [tilespmem:s0+$0x0]  }
0x44: {  	v7 =	vimm.f32 $0.0e+00;
	s14 =	simm.s32 $0x80;
	v8 =	vimm.f32 $0.0e+00;
	s13 =	simm.s32 $0x10  }
.LBB2_4:
0x45: {  	s0 =	sand.u32 $0x1C00, s14  }
0x46: {  	p0 =	sne.s32 s13, $0x3F0;
	s15 =	smov.u32 s13;
	s13 =	sadd.s32 $0x10, s13  }
.Ltmp0:
0x47: {  	s15 =	sand.u32 $0x70, s15;
	s0 =	sadd.s32 s0, s8;
	(pc) =	sbr.rel @p0 .LBB2_4-.Ltmp0, $4  }
0x48: {  	s0 =	sadd.s32 s15, s0;
	v7 =	vadd.f32 v9, v7;
	v10 =	vmul.f32 v9, v9  }
0x49: {  	v9 =	vld [tilespmem:s0+$0x0]  }
0x4a: {  	v8 =	vadd.f32 v10, v8  }
0x4b: {  	s14 =	sadd.s32 $0x80, s14  }
0x4c: {  	_ =	sdelay $0x1  }
0x4d: {  	v7 =	vadd.f32 v9, v7;
	v9 =	vmul.f32 v9, v9;
	_ =	sdelay $0x1  }
0x4e: {  	v8 =	vadd.f32 v9, v8;
	v9 =	vperm.xlane v7, v3;
	_ =	sdelay $0x1  }
0x4f: {  	v7 =	vadd.f32 v9, v7;
	v9 =	vperm.xlane v8, v3;
	_ =	sdelay $0x1  }
0x50: {  	v10 =	vperm.xlane v7, v4;
	v8 =	vadd.f32 v9, v8;
	_ =	sdelay $0x1  }
0x51: {  	v7 =	vadd.f32 v10, v7;
	v9 =	vperm.xlane v8, v4;
	_ =	sdelay $0x1  }
0x52: {  	v10 =	vperm.xlane v7, v5;
	v8 =	vadd.f32 v9, v8;
	_ =	sdelay $0x1  }
0x53: {  	v7 =	vadd.f32 v10, v7;
	v9 =	vperm.xlane v8, v5;
	_ =	sdelay $0x1  }
0x54: {  	v10 =	vperm.xlane v7, v6;
	v8 =	vadd.f32 v9, v8;
	_ =	sdelay $0x1  }
0x55: {  	v7 =	vadd.f32 v10, v7;
	v9 =	vperm.xlane v8, v6;
	_ =	sdelay $0x1  }
0x56: {  	v7 =	vmul.f32 $9.765625000e-04, v7;
	v8 =	vadd.f32 v9, v8;
	_ =	sdelay $0x1  }
0x57: {  	v8 =	vmul.f32 $9.765625000e-04, v8;
	v9 =	vmul.f32 v7, v7;
	_ =	sdelay $0x1  }
0x58: {  	v8 =	vsub.f32 v8, v9;
	_ =	sdelay $0x1  }
0x59: {  	v8 =	vadd.f32 $9.999999740e-06, v8;
	_ =	sdelay $0x1  }
0x5a: {  	v9 =	vadd.f32 $1.000000000e+00, v8;
	_ =	sdelay $0x1  }
0x5b: {  	v9 =	vmul.f32 $5.000000000e-01, v9;
	_ =	sdelay $0x1  }
0x5c: {  	(erf) = vrcp.f32 v9;
	_ =	sdelay $0x8  }
0x5d: {  	v10 =	vpop (erf)  }
0x5e: {  	v10 =	vmul.f32 v10, v8;
	_ =	sdelay $0x1  }
0x5f: {  	v9 =	vadd.f32 v10, v9;
	_ =	sdelay $0x1  }
0x60: {  	v9 =	vmul.f32 $5.000000000e-01, v9;
	_ =	sdelay $0x1  }
0x61: {  	(erf) = vrcp.f32 v9;
	_ =	sdelay $0x8  }
0x62: {  	v10 =	vpop (erf)  }
0x63: {  	v10 =	vmul.f32 v10, v8;
	_ =	sdelay $0x1  }
0x64: {  	v9 =	vadd.f32 v10, v9;
	_ =	sdelay $0x1  }
0x65: {  	v9 =	vmul.f32 $5.000000000e-01, v9;
	_ =	sdelay $0x1  }
0x66: {  	(erf) = vrcp.f32 v9;
	_ =	sdelay $0x8  }
0x67: {  	v10 =	vpop (erf)  }
0x68: {  	v10 =	vmul.f32 v10, v8;
	_ =	sdelay $0x1  }
0x69: {  	v9 =	vadd.f32 v10, v9;
	_ =	sdelay $0x1  }
0x6a: {  	v9 =	vmul.f32 $5.000000000e-01, v9;
	_ =	sdelay $0x1  }
0x6b: {  	(erf) = vrcp.f32 v9;
	_ =	sdelay $0x8  }
0x6c: {  	v10 =	vpop (erf)  }
0x6d: {  	v10 =	vmul.f32 v10, v8;
	_ =	sdelay $0x1  }
0x6e: {  	v9 =	vadd.f32 v10, v9;
	_ =	sdelay $0x1  }
0x6f: {  	v9 =	vmul.f32 $5.000000000e-01, v9;
	_ =	sdelay $0x1  }
0x70: {  	(erf) = vrcp.f32 v9;
	_ =	sdelay $0x8  }
0x71: {  	v10 =	vpop (erf)  }
0x72: {  	v8 =	vmul.f32 v10, v8;
	_ =	sdelay $0x1  }
0x73: {  	v8 =	vadd.f32 v8, v9;
	_ =	sdelay $0x1  }
0x74: {  	s16 =	sand.u32 $0x8, s3;
	v8 =	vmul.f32 $5.000000000e-01, v8  }
0x75: {  	s8 =	simm.s32 $0x0;
	s0 =	sadd.s32 $0x0, s16  }
0x76: {  	s13 =	sand.u32 $0x70, s8;
	s0 =	sshll.u32 s0, $0xA;
	(erf) = vrcp.f32 v8  }
0x77: {  	s0 =	sor.u32 s13, s0  }
0x78: {  	s15 =	sor.u32 s4, s0  }
0x79: {  	v8 =	vld [tilespmem:s15+$0x1000];
	_ =	sdelay $0x2  }
0x7a: {  	s13 =	simm.s32 $0x9000  }
0x7b: {  	s14 =	simm.s32 $0x9400;
	v9 =	vld [tilespmem:s13+$0x0]  }
0x7c: {  	v12 =	vld [tilespmem:s14+$0x0];
	v11 =	vsub.f32 v8, v7  }
0x7d: {  	v10 =	vld [tilespmem:s15+$0x5000];
	v8 =	vpop (erf)  }
0x7e: {  	v11 =	vmul.f32 v11, v8;
	_ =	sdelay $0x1  }
0x7f: {  	v9 =	vmul.f32 v9, v11;
	_ =	sdelay $0x1  }
0x80: {  	s30 =	simm.s32 $0x2;
	s0 =	simm.s32 $0x0;
	v10 =	vmul.f32 $3.200000000e+01, v10;
	v9 =	vadd.f32 v12, v9  }
.LBB2_6:
0x81: {  	p0 =	sne.s32 s30, $0x3F;
	s0 =	sadd.s32 s16, s0;
	s8 =	sadd.s32 $0x10, s8  }
0x82: {  	s6 =	sand.u32 $0x70, s8;
	s0 =	sshll.u32 s0, $0xA;
	v9 =	vadd.f32 v9, v10  }
0x83: {  	s0 =	sor.u32 s6, s0  }
0x84: {  	[tilespmem:s15+$0x1000] =	vst v9;
	s15 =	sor.u32 s4, s0  }
0x85: {  	v9 =	vld [tilespmem:s15+$0x1000];
	_ =	sdelay $0x2  }
0x86: {  	s13 =	sadd.s32 $0x10, s13  }
0x87: {  	v10 =	vld [tilespmem:s13+$0x0]  }
0x88: {  	s14 =	sadd.s32 $0x10, s14;
	v11 =	vld [tilespmem:s15+$0x5000];
	v9 =	vsub.f32 v9, v7  }
0x89: {  	v12 =	vld [tilespmem:s14+$0x0]  }
.Ltmp1:
0x8a: {  	v9 =	vmul.f32 v9, v8;
	(pc) =	sbr.rel @p0 .LBB2_6-.Ltmp1, $3  }
0x8b: {  	_ = 	snop  }
0x8c: {  	v9 =	vmul.f32 v10, v9;
	_ =	sdelay $0x1  }
0x8d: {  	s0 =	sshrl.u32 s30, $0x3;
	s30 =	sadd.s32 $0x1, s30;
	v10 =	vmul.f32 $3.200000000e+01, v11;
	v9 =	vadd.f32 v12, v9  }
0x8e: {  	s0 =	sadd.s32 s16, s0;
	s6 =	sadd.s32 $0x10, s8  }
0x8f: {  	s6 =	sand.u32 $0x70, s6;
	s0 =	sshll.u32 s0, $0xA;
	v9 =	vadd.f32 v9, v10  }
0x90: {  	s0 =	sor.u32 s6, s0  }
0x91: {  	s0 =	sor.u32 s4, s0;
	[tilespmem:s15+$0x1000] =	vst v9  }
0x92: {  	v9 =	vld [tilespmem:s0+$0x1000];
	_ =	sdelay $0x2  }
0x93: {  	s16 =	sadd.s32 $0x10, s13  }
0x94: {  	v62 =	vld [tilespmem:s16+$0x0]  }
0x95: {  	s30 =	sadd.s32 $0x10, s14;
	v11 =	vld [tilespmem:s0+$0x5000];
	v7 =	vsub.f32 v9, v7  }
0x96: {  	v63 =	vld [tilespmem:s30+$0x0]  }
0x97: {  	v7 =	vmul.f32 v7, v8;
	_ =	sdelay $0x1  }
0x98: {  	s3 =	sadd.s32 $0x1, s3;
	v7 =	vmul.f32 v62, v7  }
0x99: {  	p0 =	sne.s32 s3, $0x10  }
.Ltmp2:
0x9a: {  	v8 =	vmul.f32 $3.200000000e+01, v11;
	v7 =	vadd.f32 v63, v7;
	(pc) =	sbr.rel @p0 .LBB2_3-.Ltmp2, $3  }
0x9b: {  	_ = 	snop  }
0x9c: {  	v7 =	vadd.f32 v7, v8;
	_ =	sdelay $0x1  }
0x9d: {  	[tilespmem:s0+$0x1000] =	vst v7  }
0x9e: {  	s31 =	sadd.s32 $0x1, s31  }
0x9f: {  	s0 =	rddreg [dreg:$0x5];
	p0 =	sne.s32 s31, $0x20  }
.Ltmp3:
0xa0: {  	s0 =	sadd.s32 s0, s5;
	(pc) =	sbr.rel @p0 .LBB2_2-.Ltmp3, $4  }
0xa1: {  	[hbm4b:s0+s7] =	stream.linear.scatter [tilespmem:s17], [sflag:$0x3], $0x4000, $0x38;
	[tilespmem:$0x9800] =	vst v63  }
0xa2: {  	_ =	swait.ge [sflag:s29], $0x4000  }
0xa3: {  	[sflag:s29] =	ssyncset.done $0x0  }
0xa4: {  	[sflag:s29] =	ssyncadd.s32 $0xFFFFC000  }
0xa5: {  	s2 =	rddreg [dreg:$0x9]  }
0xa6: {  	s0 =	rddreg [dreg:$0x8];
	s2 =	sadd.s32 $0x1, s2  }
0xa7: {  	p0 =	sne.s32 s2, s0  }
.Ltmp4:
0xa8: {  	_ = 	snop;
	(pc) =	sbr.rel @p0 .LBB2_1-.Ltmp4, $1  }
0xa9: {  	_ =	sdelay $0x3  }
0xaa: {  	_ =	sfence.sel $0x180000  }
0xab: {  	[bflag:$0x0] =	sbarrier.arrive $0xFFFF  }
0xac: {  	_ =	strace $0x90000047  }
0xad: {  	s0 =	stileid.u32;
	[bflag:$0x2] =	sbarrier.arrive $0xFFFF  }
0xae: {  	p0 =	sne.s32 s0, $0x0;
	s0 =	rddreg [dreg:$0x6]  }
0xaf: {  	s0 =	sadd.s32 @!p0 $0x100000, s0  }
0xb0: {  	[sflag:s0] =	ssyncadd.tile.s32 @!p0 $0x1;
	_ =	shalt  }
.Lfunc_end2:
_tile_overlayer_lowered:
.L_overlay_start_2:
0xb1: {  	(tag) =	ssettag $0x2  }
0xb2: {  	s0 =	rddreg [dreg:$0x0];
	s2 =	stileid.u32  }
0xb3: {  	s1 =	rddreg [dreg:$0x1];
	p0 =	sne.s32 s2, $0x0  }
0xb4: {  	s3 =	rddreg [dreg:$0x2];
	[bflag:$0x3] =	sbarrier.arrive $0xFFFF;
	s2 =	simm.s32 @!p0 $0x1C04  }
0xb5: {  	[timem:s3], [sflag:s2] =	dma.local @!p0 [hbm:s0], s1  }
0xb6: {  	s0 =	simm.s32 @!p0 $0x4  }
0xb7: {  	_ =	swait.ge @!p0 [sflag:s0], s1  }
0xb8: {  	s1 =	ssub.s32 @!p0 $0x0, s1;
	[sflag:s0] =	ssyncset.done @!p0 $0x0  }
0xb9: {  	[sflag:s0] =	ssyncadd.s32 @!p0 s1  }
0xba: {  	[bflag:$0x3] =	sbarrier.arrive $0xFFFF  }
0xbb: {  	_ =	shalt  }

</sc_bundles>
